<compile_context>
chip_gen: v7x
topology: tpu7x:2x2x1
jax: 0.10.2.dev20260603
libtpu: 0.0.44.dev20260713+nightly
codegen_flags: <defaults>
</compile_context>

<pallas_src>
import functools

import jax
import jax.numpy as jnp
from jax import lax
from jax.experimental import pallas as pl
from jax.experimental.pallas import tpu as pltpu
from jax.experimental.pallas import tpu_sc as plsc

VOCAB = 100
HIDDEN = 1024
BATCH = 4096
SEQ = 20
NUM_ROWS = BATCH * SEQ
NUM_CORES = 2
NUM_SUBCORES = 16
NUM_WORKERS = NUM_CORES * NUM_SUBCORES
ROWS_PER_WORKER = NUM_ROWS // NUM_WORKERS
CHUNK = 40
NBUF = 2
NUM_CHUNKS = ROWS_PER_WORKER // CHUNK
REPL = 16

_MESH = plsc.VectorSubcoreMesh(core_axis_name="c", subcore_axis_name="s")


@functools.partial(
    pl.kernel,
    out_type=jax.ShapeDtypeStruct((NUM_ROWS, HIDDEN), jnp.float32),
    mesh=_MESH,
    scratch_types=[
        pltpu.VMEM((ROWS_PER_WORKER,), jnp.int32),
        pltpu.VMEM((NBUF, CHUNK, HIDDEN), jnp.float32),
        [pltpu.SemaphoreType.DMA] * NBUF,
        [pltpu.SemaphoreType.DMA] * NBUF,
    ],
)
def _emb_gather(idx_hbm, table_hbm, out_hbm, idx_v, bufs, gsems, osems):
    wid = lax.axis_index("s") * NUM_CORES + lax.axis_index("c")
    base = wid * ROWS_PER_WORKER
    pltpu.sync_copy(idx_hbm.at[pl.ds(base, ROWS_PER_WORKER)], idx_v)

    def out_slice(g):
        return out_hbm.at[pl.ds(base + g * CHUNK, CHUNK)]

    def body(step, carry):
        g0 = step * NBUF
        for b in range(NBUF):
            g = g0 + b

            @pl.when(g >= NBUF)
            def _():
                pltpu.make_async_copy(
                    bufs.at[b], out_slice(g - NBUF), osems[b]).wait()

            pltpu.async_copy(
                table_hbm.at[idx_v.at[pl.ds(g * CHUNK, CHUNK)]],
                bufs.at[b], gsems[b]).wait()

            pltpu.async_copy(bufs.at[b], out_slice(g), osems[b])
        return carry

    lax.fori_loop(0, NUM_CHUNKS // NBUF, body, 0)

    for b in range(NBUF):
        g = NUM_CHUNKS - NBUF + b
        pltpu.make_async_copy(bufs.at[b], out_slice(g), osems[b]).wait()


def kernel(indices, word_embeddings):
    idx_t = indices.T.reshape(NUM_ROWS).astype(jnp.int32)
    repl = jnp.arange(NUM_ROWS, dtype=jnp.int32) % REPL
    idx_t = idx_t + repl * VOCAB
    table_rep = jnp.tile(word_embeddings, (REPL, 1))
    flat = _emb_gather(idx_t, table_rep)
    return flat.reshape(SEQ, BATCH, HIDDEN).transpose(1, 0, 2)

# --- scband reference (transcript-rebuilt; emitter-appended) ---
"""Pipeline reference for scband-mock-model-16664473108785 (READ-ONLY COPY).

The authoritative reference and input builder live on the scoring server;
editing this copy changes nothing except your own understanding.
"""

import jax, jax.numpy as jnp
import numpy as np

VOCAB = 100
HIDDEN = 1024
BATCH = 4096
SEQ = 20

def setup_inputs(seed: int = 0) -> dict:
    key = jax.random.key(seed)
    k1, k2 = jax.random.split(key)
    indices = jax.random.randint(k1, (BATCH, SEQ), 0, VOCAB)
    word_embeddings = jax.random.normal(k2, (VOCAB, HIDDEN), dtype=jnp.float32) * 0.02
    return {"indices": indices, "word_embeddings": word_embeddings}

def reference(indices, word_embeddings):
    # MockModel forward: word_embeddings(indices) -> embedding row gather
    return jnp.take(word_embeddings, indices, axis=0)

if __name__ == "__main__":
    import jax
    _d = setup_inputs()
    print(jax.jit(kernel)(*tuple(_d.values())))

</pallas_src>

<mosaic_0001>
#map = affine_map<(d0, d1) -> (0)>
#map1 = affine_map<(d0, d1) -> (0, 0)>
module attributes {stable_mosaic.version = 14 : i64} {
  func.func @_emb_gather(%arg0: i32, %arg1: i32, %arg2: memref<81920xi32, #tpu.memory_space<hbm>>, %arg3: memref<1600x1024xf32, #tpu.memory_space<hbm>>, %arg4: memref<81920x1024xf32, #tpu.memory_space<hbm>>, %arg5: memref<2560xi32, #tpu.memory_space<vmem>>, %arg6: memref<2x40x1024xf32, #tpu.memory_space<vmem>>, %arg7: memref<!tpu.dma_semaphore, #tpu.memory_space<semaphore_mem>>, %arg8: memref<!tpu.dma_semaphore, #tpu.memory_space<semaphore_mem>>, %arg9: memref<!tpu.dma_semaphore, #tpu.memory_space<semaphore_mem>>, %arg10: memref<!tpu.dma_semaphore, #tpu.memory_space<semaphore_mem>>) attributes {dimension_semantics = [#tpu.dimension_semantics<core_parallel>, #tpu.dimension_semantics<subcore_parallel>], iteration_bounds = array<i64: 2, 16>, scalar_prefetch = 0 : i64, scratch_operands = 6 : i64, tpu.core_type = #tpu.core_type<sc_vector_subcore>, window_params = [{transform_indices = #map}, {transform_indices = #map1}, {transform_indices = #map1}]} {
    %mul3A = arith.constant 2 : i32
    %mul3A_0 = arith.muli %arg1, %mul3A : i32
    %add3A = arith.addi %mul3A_0, %arg0 : i32
    %mul3A_1 = arith.constant 2560 : i32
    %mul3A_2 = arith.muli %add3A, %mul3A_1 : i32
    "tpu.region"() ({
      %run_scoped3A = tpu.sem_alloc : memref<!tpu.dma_semaphore, #tpu.memory_space<semaphore_mem>>
      %dma_start3A = tpu.memref_slice %arg2[%mul3A_2] : memref<81920xi32, #tpu.memory_space<hbm>> -> memref<2560xi32, #tpu.memory_space<hbm>>
      %dma_start3A_37 = tpu.memref_slice %arg2[%mul3A_2] : memref<81920xi32, #tpu.memory_space<hbm>> -> memref<2560xi32, #tpu.memory_space<hbm>>
      tpu.enqueue_dma source(%dma_start3A_37 : memref<2560xi32, #tpu.memory_space<hbm>>) target(%arg5 : memref<2560xi32, #tpu.memory_space<vmem>>) target_semaphore(%run_scoped3A : memref<!tpu.dma_semaphore, #tpu.memory_space<semaphore_mem>>)
      %dma_wait3A_38 = tpu.memref_slice %arg2[%mul3A_2] : memref<81920xi32, #tpu.memory_space<hbm>> -> memref<2560xi32, #tpu.memory_space<hbm>>
      %dma_wait3A_39 = tpu.memref_slice %arg2[%mul3A_2] : memref<81920xi32, #tpu.memory_space<hbm>> -> memref<2560xi32, #tpu.memory_space<hbm>>
      tpu.wait_dma2 semaphore(%run_scoped3A : memref<!tpu.dma_semaphore, #tpu.memory_space<semaphore_mem>>) src(%dma_wait3A_39 : memref<2560xi32, #tpu.memory_space<hbm>>) dst(%arg5 : memref<2560xi32, #tpu.memory_space<vmem>>)
      tpu.yield
    }) : () -> ()
    %scan3A = arith.constant 0 : i32
    %scan3A_3 = arith.constant 0 : i32
    %scan3A_4 = arith.constant 32 : i32
    %scan3A_5 = arith.addi %scan3A_3, %scan3A_4 : i32
    %scan3A_6 = arith.constant 1 : i32
    scf.for %scan3A_37 = %scan3A_3 to %scan3A_5 step %scan3A_6  : i32 {
      %mul3A_38 = arith.constant 2 : i32
      %mul3A_39 = arith.muli %scan3A_37, %mul3A_38 : i32
      %add3A_40 = arith.constant 0 : i32
      %add3A_41 = arith.addi %mul3A_39, %add3A_40 : i32
      %ge3A = arith.constant 2 : i32
      %ge3A_42 = arith.cmpi sge, %add3A_41, %ge3A : i32
      %convert_element_type3A = arith.extui %ge3A_42 : i1 to i32
      %cond3A = arith.constant 0 : i32
      %cond3A_43 = arith.cmpi ne, %convert_element_type3A, %cond3A : i32
      scf.if %cond3A_43 {
        %sub3A = arith.constant 2 : i32
        %sub3A_122 = arith.subi %add3A_41, %sub3A : i32
        %mul3A_123 = arith.constant 40 : i32
        %mul3A_124 = arith.muli %sub3A_122, %mul3A_123 : i32
        %add3A_125 = arith.addi %mul3A_2, %mul3A_124 : i32
        %dma_wait3A_126 = arith.constant 0 : i32
        %dma_wait3A_127 = arith.constant 0 : i32
        %dma_wait3A_128 = arith.constant 0 : i32
        %dma_wait3A_129 = tpu.memref_slice %arg6[%dma_wait3A_126, %dma_wait3A_127, %dma_wait3A_128] : memref<2x40x1024xf32, #tpu.memory_space<vmem>> -> memref<1x40x1024xf32, #tpu.memory_space<vmem>>
        %dma_wait3A_130 = tpu.memref_squeeze %dma_wait3A_129 : memref<1x40x1024xf32, #tpu.memory_space<vmem>> -> memref<40x1024xf32, #tpu.memory_space<vmem>>
        %dma_wait3A_131 = arith.constant 0 : i32
        %dma_wait3A_132 = tpu.memref_slice %arg4[%add3A_125, %dma_wait3A_131] : memref<81920x1024xf32, #tpu.memory_space<hbm>> -> memref<40x1024xf32, #tpu.memory_space<hbm>>
        %dma_wait3A_133 = arith.constant 0 : i32
        %dma_wait3A_134 = tpu.memref_slice %arg4[%add3A_125, %dma_wait3A_133] : memref<81920x1024xf32, #tpu.memory_space<hbm>> -> memref<40x1024xf32, #tpu.memory_space<hbm>>
        %dma_wait3A_135 = arith.constant 0 : i32
        %dma_wait3A_136 = arith.constant 0 : i32
        %dma_wait3A_137 = tpu.memref_slice %arg6[%dma_wait3A_126, %dma_wait3A_135, %dma_wait3A_136] : memref<2x40x1024xf32, #tpu.memory_space<vmem>> -> memref<1x40x1024xf32, #tpu.memory_space<vmem>>
        %dma_wait3A_138 = tpu.memref_squeeze %dma_wait3A_137 : memref<1x40x1024xf32, #tpu.memory_space<vmem>> -> memref<40x1024xf32, #tpu.memory_space<vmem>>
        tpu.wait_dma2 semaphore(%arg9 : memref<!tpu.dma_semaphore, #tpu.memory_space<semaphore_mem>>) src(%dma_wait3A_138 : memref<40x1024xf32, #tpu.memory_space<vmem>>) dst(%dma_wait3A_134 : memref<40x1024xf32, #tpu.memory_space<hbm>>)
      } else {
      }
      %mul3A_44 = arith.constant 40 : i32
      %mul3A_45 = arith.muli %add3A_41, %mul3A_44 : i32
      %dma_start3A = arith.constant 0 : i32
      %dma_start3A_46 = arith.constant 0 : i32
      %dma_start3A_47 = arith.constant 0 : i32
      %dma_start3A_48 = tpu.memref_slice %arg6[%dma_start3A, %dma_start3A_46, %dma_start3A_47] : memref<2x40x1024xf32, #tpu.memory_space<vmem>> -> memref<1x40x1024xf32, #tpu.memory_space<vmem>>
      %dma_start3A_49 = tpu.memref_squeeze %dma_start3A_48 : memref<1x40x1024xf32, #tpu.memory_space<vmem>> -> memref<40x1024xf32, #tpu.memory_space<vmem>>
      %dma_start3A_50 = tpu.memref_slice %arg5[%mul3A_45] : memref<2560xi32, #tpu.memory_space<vmem>> -> memref<40xi32, #tpu.memory_space<vmem>>
      %dma_start3A_51 = arith.constant 0 : i32
      %dma_start3A_52 = arith.constant 0 : i32
      %dma_start3A_53 = tpu.memref_slice %arg3[%dma_start3A_51, %dma_start3A_52] : memref<1600x1024xf32, #tpu.memory_space<hbm>> -> memref<1600x1024xf32, #tpu.memory_space<hbm>>
      tpu.enqueue_indirect_dma source(%dma_start3A_53 : memref<1600x1024xf32, #tpu.memory_space<hbm>>) target(%dma_start3A_49 : memref<40x1024xf32, #tpu.memory_space<vmem>>) offsets(%dma_start3A_50 : memref<40xi32, #tpu.memory_space<vmem>>) semaphore(%arg7 : memref<!tpu.dma_semaphore, #tpu.memory_space<semaphore_mem>>)
      %dma_wait3A_54 = arith.constant 0 : i32
      %dma_wait3A_55 = arith.constant 0 : i32
      %dma_wait3A_56 = arith.constant 0 : i32
      %dma_wait3A_57 = tpu.memref_slice %arg6[%dma_wait3A_54, %dma_wait3A_55, %dma_wait3A_56] : memref<2x40x1024xf32, #tpu.memory_space<vmem>> -> memref<1x40x1024xf32, #tpu.memory_space<vmem>>
      %dma_wait3A_58 = tpu.memref_squeeze %dma_wait3A_57 : memref<1x40x1024xf32, #tpu.memory_space<vmem>> -> memref<40x1024xf32, #tpu.memory_space<vmem>>
      %dma_wait3A_59 = tpu.memref_slice %arg5[%mul3A_45] : memref<2560xi32, #tpu.memory_space<vmem>> -> memref<40xi32, #tpu.memory_space<vmem>>
      %dma_wait3A_60 = arith.constant 0 : i32
      %dma_wait3A_61 = arith.constant 0 : i32
      %dma_wait3A_62 = tpu.memref_slice %arg3[%dma_wait3A_60, %dma_wait3A_61] : memref<1600x1024xf32, #tpu.memory_space<hbm>> -> memref<1600x1024xf32, #tpu.memory_space<hbm>>
      tpu.wait_indirect_dma semaphore(%arg7 : memref<!tpu.dma_semaphore, #tpu.memory_space<semaphore_mem>>) src(%dma_wait3A_62 : memref<1600x1024xf32, #tpu.memory_space<hbm>>) dst(%dma_wait3A_58 : memref<40x1024xf32, #tpu.memory_space<vmem>>)
      %mul3A_63 = arith.constant 40 : i32
      %mul3A_64 = arith.muli %add3A_41, %mul3A_63 : i32
      %add3A_65 = arith.addi %mul3A_2, %mul3A_64 : i32
      %dma_start3A_66 = arith.constant 0 : i32
      %dma_start3A_67 = arith.constant 0 : i32
      %dma_start3A_68 = arith.constant 0 : i32
      %dma_start3A_69 = tpu.memref_slice %arg6[%dma_start3A_66, %dma_start3A_67, %dma_start3A_68] : memref<2x40x1024xf32, #tpu.memory_space<vmem>> -> memref<1x40x1024xf32, #tpu.memory_space<vmem>>
      %dma_start3A_70 = tpu.memref_squeeze %dma_start3A_69 : memref<1x40x1024xf32, #tpu.memory_space<vmem>> -> memref<40x1024xf32, #tpu.memory_space<vmem>>
      %dma_start3A_71 = arith.constant 0 : i32
      %dma_start3A_72 = tpu.memref_slice %arg4[%add3A_65, %dma_start3A_71] : memref<81920x1024xf32, #tpu.memory_space<hbm>> -> memref<40x1024xf32, #tpu.memory_space<hbm>>
      %dma_start3A_73 = arith.constant 0 : i32
      %dma_start3A_74 = tpu.memref_slice %arg4[%add3A_65, %dma_start3A_73] : memref<81920x1024xf32, #tpu.memory_space<hbm>> -> memref<40x1024xf32, #tpu.memory_space<hbm>>
      %dma_start3A_75 = arith.constant 0 : i32
      %dma_start3A_76 = arith.constant 0 : i32
      %dma_start3A_77 = tpu.memref_slice %arg6[%dma_start3A_66, %dma_start3A_75, %dma_start3A_76] : memref<2x40x1024xf32, #tpu.memory_space<vmem>> -> memref<1x40x1024xf32, #tpu.memory_space<vmem>>
      %dma_start3A_78 = tpu.memref_squeeze %dma_start3A_77 : memref<1x40x1024xf32, #tpu.memory_space<vmem>> -> memref<40x1024xf32, #tpu.memory_space<vmem>>
      tpu.enqueue_dma source(%dma_start3A_78 : memref<40x1024xf32, #tpu.memory_space<vmem>>) target(%dma_start3A_74 : memref<40x1024xf32, #tpu.memory_space<hbm>>) target_semaphore(%arg9 : memref<!tpu.dma_semaphore, #tpu.memory_space<semaphore_mem>>)
      %add3A_79 = arith.constant 1 : i32
      %add3A_80 = arith.addi %mul3A_39, %add3A_79 : i32
      %ge3A_81 = arith.constant 2 : i32
      %ge3A_82 = arith.cmpi sge, %add3A_80, %ge3A_81 : i32
      %convert_element_type3A_83 = arith.extui %ge3A_82 : i1 to i32
      %cond3A_84 = arith.constant 0 : i32
      %cond3A_85 = arith.cmpi ne, %convert_element_type3A_83, %cond3A_84 : i32
      scf.if %cond3A_85 {
        %sub3A = arith.constant 2 : i32
        %sub3A_122 = arith.subi %add3A_80, %sub3A : i32
        %mul3A_123 = arith.constant 40 : i32
        %mul3A_124 = arith.muli %sub3A_122, %mul3A_123 : i32
        %add3A_125 = arith.addi %mul3A_2, %mul3A_124 : i32
        %dma_wait3A_126 = arith.constant 1 : i32
        %dma_wait3A_127 = arith.constant 0 : i32
        %dma_wait3A_128 = arith.constant 0 : i32
        %dma_wait3A_129 = tpu.memref_slice %arg6[%dma_wait3A_126, %dma_wait3A_127, %dma_wait3A_128] : memref<2x40x1024xf32, #tpu.memory_space<vmem>> -> memref<1x40x1024xf32, #tpu.memory_space<vmem>>
        %dma_wait3A_130 = tpu.memref_squeeze %dma_wait3A_129 : memref<1x40x1024xf32, #tpu.memory_space<vmem>> -> memref<40x1024xf32, #tpu.memory_space<vmem>>
        %dma_wait3A_131 = arith.constant 0 : i32
        %dma_wait3A_132 = tpu.memref_slice %arg4[%add3A_125, %dma_wait3A_131] : memref<81920x1024xf32, #tpu.memory_space<hbm>> -> memref<40x1024xf32, #tpu.memory_space<hbm>>
        %dma_wait3A_133 = arith.constant 0 : i32
        %dma_wait3A_134 = tpu.memref_slice %arg4[%add3A_125, %dma_wait3A_133] : memref<81920x1024xf32, #tpu.memory_space<hbm>> -> memref<40x1024xf32, #tpu.memory_space<hbm>>
        %dma_wait3A_135 = arith.constant 0 : i32
        %dma_wait3A_136 = arith.constant 0 : i32
        %dma_wait3A_137 = tpu.memref_slice %arg6[%dma_wait3A_126, %dma_wait3A_135, %dma_wait3A_136] : memref<2x40x1024xf32, #tpu.memory_space<vmem>> -> memref<1x40x1024xf32, #tpu.memory_space<vmem>>
        %dma_wait3A_138 = tpu.memref_squeeze %dma_wait3A_137 : memref<1x40x1024xf32, #tpu.memory_space<vmem>> -> memref<40x1024xf32, #tpu.memory_space<vmem>>
        tpu.wait_dma2 semaphore(%arg10 : memref<!tpu.dma_semaphore, #tpu.memory_space<semaphore_mem>>) src(%dma_wait3A_138 : memref<40x1024xf32, #tpu.memory_space<vmem>>) dst(%dma_wait3A_134 : memref<40x1024xf32, #tpu.memory_space<hbm>>)
      } else {
      }
      %mul3A_86 = arith.constant 40 : i32
      %mul3A_87 = arith.muli %add3A_80, %mul3A_86 : i32
      %dma_start3A_88 = arith.constant 1 : i32
      %dma_start3A_89 = arith.constant 0 : i32
      %dma_start3A_90 = arith.constant 0 : i32
      %dma_start3A_91 = tpu.memref_slice %arg6[%dma_start3A_88, %dma_start3A_89, %dma_start3A_90] : memref<2x40x1024xf32, #tpu.memory_space<vmem>> -> memref<1x40x1024xf32, #tpu.memory_space<vmem>>
      %dma_start3A_92 = tpu.memref_squeeze %dma_start3A_91 : memref<1x40x1024xf32, #tpu.memory_space<vmem>> -> memref<40x1024xf32, #tpu.memory_space<vmem>>
      %dma_start3A_93 = tpu.memref_slice %arg5[%mul3A_87] : memref<2560xi32, #tpu.memory_space<vmem>> -> memref<40xi32, #tpu.memory_space<vmem>>
      %dma_start3A_94 = arith.constant 0 : i32
      %dma_start3A_95 = arith.constant 0 : i32
      %dma_start3A_96 = tpu.memref_slice %arg3[%dma_start3A_94, %dma_start3A_95] : memref<1600x1024xf32, #tpu.memory_space<hbm>> -> memref<1600x1024xf32, #tpu.memory_space<hbm>>
      tpu.enqueue_indirect_dma source(%dma_start3A_96 : memref<1600x1024xf32, #tpu.memory_space<hbm>>) target(%dma_start3A_92 : memref<40x1024xf32, #tpu.memory_space<vmem>>) offsets(%dma_start3A_93 : memref<40xi32, #tpu.memory_space<vmem>>) semaphore(%arg8 : memref<!tpu.dma_semaphore, #tpu.memory_space<semaphore_mem>>)
      %dma_wait3A_97 = arith.constant 1 : i32
      %dma_wait3A_98 = arith.constant 0 : i32
      %dma_wait3A_99 = arith.constant 0 : i32
      %dma_wait3A_100 = tpu.memref_slice %arg6[%dma_wait3A_97, %dma_wait3A_98, %dma_wait3A_99] : memref<2x40x1024xf32, #tpu.memory_space<vmem>> -> memref<1x40x1024xf32, #tpu.memory_space<vmem>>
      %dma_wait3A_101 = tpu.memref_squeeze %dma_wait3A_100 : memref<1x40x1024xf32, #tpu.memory_space<vmem>> -> memref<40x1024xf32, #tpu.memory_space<vmem>>
      %dma_wait3A_102 = tpu.memref_slice %arg5[%mul3A_87] : memref<2560xi32, #tpu.memory_space<vmem>> -> memref<40xi32, #tpu.memory_space<vmem>>
      %dma_wait3A_103 = arith.constant 0 : i32
      %dma_wait3A_104 = arith.constant 0 : i32
      %dma_wait3A_105 = tpu.memref_slice %arg3[%dma_wait3A_103, %dma_wait3A_104] : memref<1600x1024xf32, #tpu.memory_space<hbm>> -> memref<1600x1024xf32, #tpu.memory_space<hbm>>
      tpu.wait_indirect_dma semaphore(%arg8 : memref<!tpu.dma_semaphore, #tpu.memory_space<semaphore_mem>>) src(%dma_wait3A_105 : memref<1600x1024xf32, #tpu.memory_space<hbm>>) dst(%dma_wait3A_101 : memref<40x1024xf32, #tpu.memory_space<vmem>>)
      %mul3A_106 = arith.constant 40 : i32
      %mul3A_107 = arith.muli %add3A_80, %mul3A_106 : i32
      %add3A_108 = arith.addi %mul3A_2, %mul3A_107 : i32
      %dma_start3A_109 = arith.constant 1 : i32
      %dma_start3A_110 = arith.constant 0 : i32
      %dma_start3A_111 = arith.constant 0 : i32
      %dma_start3A_112 = tpu.memref_slice %arg6[%dma_start3A_109, %dma_start3A_110, %dma_start3A_111] : memref<2x40x1024xf32, #tpu.memory_space<vmem>> -> memref<1x40x1024xf32, #tpu.memory_space<vmem>>
      %dma_start3A_113 = tpu.memref_squeeze %dma_start3A_112 : memref<1x40x1024xf32, #tpu.memory_space<vmem>> -> memref<40x1024xf32, #tpu.memory_space<vmem>>
      %dma_start3A_114 = arith.constant 0 : i32
      %dma_start3A_115 = tpu.memref_slice %arg4[%add3A_108, %dma_start3A_114] : memref<81920x1024xf32, #tpu.memory_space<hbm>> -> memref<40x1024xf32, #tpu.memory_space<hbm>>
      %dma_start3A_116 = arith.constant 0 : i32
      %dma_start3A_117 = tpu.memref_slice %arg4[%add3A_108, %dma_start3A_116] : memref<81920x1024xf32, #tpu.memory_space<hbm>> -> memref<40x1024xf32, #tpu.memory_space<hbm>>
      %dma_start3A_118 = arith.constant 0 : i32
      %dma_start3A_119 = arith.constant 0 : i32
      %dma_start3A_120 = tpu.memref_slice %arg6[%dma_start3A_109, %dma_start3A_118, %dma_start3A_119] : memref<2x40x1024xf32, #tpu.memory_space<vmem>> -> memref<1x40x1024xf32, #tpu.memory_space<vmem>>
      %dma_start3A_121 = tpu.memref_squeeze %dma_start3A_120 : memref<1x40x1024xf32, #tpu.memory_space<vmem>> -> memref<40x1024xf32, #tpu.memory_space<vmem>>
      tpu.enqueue_dma source(%dma_start3A_121 : memref<40x1024xf32, #tpu.memory_space<vmem>>) target(%dma_start3A_117 : memref<40x1024xf32, #tpu.memory_space<hbm>>) target_semaphore(%arg10 : memref<!tpu.dma_semaphore, #tpu.memory_space<semaphore_mem>>)
    }
    %scan3A_7 = arith.constant 32 : i32
    %add3A_8 = arith.constant 2480 : i32
    %add3A_9 = arith.addi %mul3A_2, %add3A_8 : i32
    %dma_wait3A = arith.constant 0 : i32
    %dma_wait3A_10 = arith.constant 0 : i32
    %dma_wait3A_11 = arith.constant 0 : i32
    %dma_wait3A_12 = tpu.memref_slice %arg6[%dma_wait3A, %dma_wait3A_10, %dma_wait3A_11] : memref<2x40x1024xf32, #tpu.memory_space<vmem>> -> memref<1x40x1024xf32, #tpu.memory_space<vmem>>
    %dma_wait3A_13 = tpu.memref_squeeze %dma_wait3A_12 : memref<1x40x1024xf32, #tpu.memory_space<vmem>> -> memref<40x1024xf32, #tpu.memory_space<vmem>>
    %dma_wait3A_14 = arith.constant 0 : i32
    %dma_wait3A_15 = tpu.memref_slice %arg4[%add3A_9, %dma_wait3A_14] : memref<81920x1024xf32, #tpu.memory_space<hbm>> -> memref<40x1024xf32, #tpu.memory_space<hbm>>
    %dma_wait3A_16 = arith.constant 0 : i32
    %dma_wait3A_17 = tpu.memref_slice %arg4[%add3A_9, %dma_wait3A_16] : memref<81920x1024xf32, #tpu.memory_space<hbm>> -> memref<40x1024xf32, #tpu.memory_space<hbm>>
    %dma_wait3A_18 = arith.constant 0 : i32
    %dma_wait3A_19 = arith.constant 0 : i32
    %dma_wait3A_20 = tpu.memref_slice %arg6[%dma_wait3A, %dma_wait3A_18, %dma_wait3A_19] : memref<2x40x1024xf32, #tpu.memory_space<vmem>> -> memref<1x40x1024xf32, #tpu.memory_space<vmem>>
    %dma_wait3A_21 = tpu.memref_squeeze %dma_wait3A_20 : memref<1x40x1024xf32, #tpu.memory_space<vmem>> -> memref<40x1024xf32, #tpu.memory_space<vmem>>
    tpu.wait_dma2 semaphore(%arg9 : memref<!tpu.dma_semaphore, #tpu.memory_space<semaphore_mem>>) src(%dma_wait3A_21 : memref<40x1024xf32, #tpu.memory_space<vmem>>) dst(%dma_wait3A_17 : memref<40x1024xf32, #tpu.memory_space<hbm>>)
    %add3A_22 = arith.constant 2520 : i32
    %add3A_23 = arith.addi %mul3A_2, %add3A_22 : i32
    %dma_wait3A_24 = arith.constant 1 : i32
    %dma_wait3A_25 = arith.constant 0 : i32
    %dma_wait3A_26 = arith.constant 0 : i32
    %dma_wait3A_27 = tpu.memref_slice %arg6[%dma_wait3A_24, %dma_wait3A_25, %dma_wait3A_26] : memref<2x40x1024xf32, #tpu.memory_space<vmem>> -> memref<1x40x1024xf32, #tpu.memory_space<vmem>>
    %dma_wait3A_28 = tpu.memref_squeeze %dma_wait3A_27 : memref<1x40x1024xf32, #tpu.memory_space<vmem>> -> memref<40x1024xf32, #tpu.memory_space<vmem>>
    %dma_wait3A_29 = arith.constant 0 : i32
    %dma_wait3A_30 = tpu.memref_slice %arg4[%add3A_23, %dma_wait3A_29] : memref<81920x1024xf32, #tpu.memory_space<hbm>> -> memref<40x1024xf32, #tpu.memory_space<hbm>>
    %dma_wait3A_31 = arith.constant 0 : i32
    %dma_wait3A_32 = tpu.memref_slice %arg4[%add3A_23, %dma_wait3A_31] : memref<81920x1024xf32, #tpu.memory_space<hbm>> -> memref<40x1024xf32, #tpu.memory_space<hbm>>
    %dma_wait3A_33 = arith.constant 0 : i32
    %dma_wait3A_34 = arith.constant 0 : i32
    %dma_wait3A_35 = tpu.memref_slice %arg6[%dma_wait3A_24, %dma_wait3A_33, %dma_wait3A_34] : memref<2x40x1024xf32, #tpu.memory_space<vmem>> -> memref<1x40x1024xf32, #tpu.memory_space<vmem>>
    %dma_wait3A_36 = tpu.memref_squeeze %dma_wait3A_35 : memref<1x40x1024xf32, #tpu.memory_space<vmem>> -> memref<40x1024xf32, #tpu.memory_space<vmem>>
    tpu.wait_dma2 semaphore(%arg10 : memref<!tpu.dma_semaphore, #tpu.memory_space<semaphore_mem>>) src(%dma_wait3A_36 : memref<40x1024xf32, #tpu.memory_space<vmem>>) dst(%dma_wait3A_32 : memref<40x1024xf32, #tpu.memory_space<hbm>>)
    return
  }
}

</mosaic_0001>

<sc_bundles>
// kernel: kernel.3.cloned.1.call-start
scs
__scs_entry_jumppad:
0x0: {  	(pc) =	sbr.rel $0x88, $3  }
0x1: {  	(tag) =	ssettag $0x0;
	lr =	simm.s32 $0x1  }
0x2: {  	[smem:$0x3F9F] =	sst lr;
	_ =	strace $0xD0000000  }
0x3: {  	_ = 	snop  }
0x4: {  	_ = 	snop  }
0x5: {  	_ = 	snop  }
0x6: {  	_ = 	snop  }
0x7: {  	_ = 	snop  }
__scs_overlays_trampoline_lowered:
0x8: {  	[smem:$0x3FAE] =	sst s0  }
0x9: {  	[smem:$0x3FAF] =	sst s1  }
0xa: {  	[smem:$0x3FB0] =	sst s2  }
0xb: {  	[smem:$0x3FB1] =	sst s3  }
0xc: {  	[smem:$0x3FB2] =	sst s4  }
0xd: {  	[smem:$0x3FB3] =	sst s5  }
0xe: {  	[smem:$0x3FB4] =	sst s6  }
0xf: {  	[smem:$0x3FB5] =	sst s7  }
0x10: {  	[smem:$0x3FB6] =	sst s8  }
0x11: {  	[smem:$0x3FB7] =	sst s9;
	s0 =	simm.s32 @!p0 $0x0  }
0x12: {  	s1 =	sld [smem:$0x3F9D];
	s0 =	simm.s32 @p0 $0x1  }
0x13: {  	[smem:$0x3FB8] =	sst s0;
	s0 =	simm.s32 @!p1 $0x0  }
0x14: {  	s2 =	sld [smem:$0x3F9C];
	s0 =	simm.s32 @p1 $0x1  }
0x15: {  	[smem:$0x3FB9] =	sst s0;
	s0 =	simm.s32 @!p2 $0x0  }
0x16: {  	s3 =	sld [smem:$0x3FDB];
	s0 =	simm.s32 @p2 $0x1  }
0x17: {  	s4 =	simm.s32 $0x1BF5;
	[smem:$0x3FBB] =	sst s0  }
0x18: {  	s0 =	sld [smem:$0x3F9E];
	_ =	swait.ge [sflag:s4], $0x0  }
0x19: {  	s7 =	sld [smem:$0x3F9F]  }
0x1a: {  	s8 =	sadd.s32 $0xFFFFE003, lr  }
0x1b: {  	s9 =	sadd.s32 $0xFFFFFEF7, lr;
	s5 =	simm.s32 $0xFFFFFFFF;
	p2 =	slt.u32 s8, $0xFFFFF086  }
0x1c: {  	p1 =	slt.u32 s9, $0xF7A;
	s5 =	simm.s32 @!p2 $0x0  }
0x1d: {  	s5 =	simm.s32 @p1 $0x1;
	p0 =	seq.s32 s7, s2  }
0x1e: {  	s7 =	smul.u32 @!p0 $0xF7A, s2;
	p2 =	seq.s32 @!p0 s5, $0x0  }
0x1f: {  	s9 =	smul.u32 $0xF7A, s1;
	s8 =	simm.s32 @!p0 $0x1BF5;
	p2 =	por !p2, p0  }
0x20: {  	[sflag:s8] =	ssyncset.s32 @!p0 $0xFFFFF086;
	s6 =	sadd.s32 @!p0 s3, s7;
	s7 =	simm.s32 @!p0 $0x108  }
0x21: {  	s3 =	sadd.s32 s3, s9;
	s6 =	sadd.s32 @!p0 $0x88, s6;
	s7 =	simm.s32 @p2 $0x1082  }
0x22: {  	[simem:s7], [sflag:s8] =	dma.local @!p0 [hbm:s6], $0xF7A  }
0x23: {  	s9 =	sor.u32 $0xD0000000, s2;
	s6 =	simm.s32 $0x108;
	_ =	swait.ge @!p0 [sflag:s8], $0x0  }
0x24: {  	s3 =	sadd.s32 $0x88, s3;
	s6 =	simm.s32 @!p1 $0x1082;
	[sflag:s4] =	ssyncset.s32 $0xFFFFF086  }
0x25: {  	[simem:s6], [sflag:s4] =	dma.local [hbm:s3], $0xF7A  }
0x26: {  	[smem:$0x3F9F] =	sst s1;
	(tag) =	ssettag s2;
	_ =	strace s9  }
0x27: {  	s1 =	sld [smem:$0x3FAF]  }
0x28: {  	s2 =	sld [smem:$0x3FB0]  }
0x29: {  	s4 =	sld [smem:$0x3FB2]  }
0x2a: {  	p0 =	seq.s32 s5, $0x0;
	s5 =	sld [smem:$0x3FB3]  }
0x2b: {  	s6 =	sld [smem:$0x3FB4]  }
0x2c: {  	s7 =	sld [smem:$0x3FB5]  }
0x2d: {  	s3 =	simm.s32 $0x108;
	s8 =	sld [smem:$0x3FB6]  }
0x2e: {  	s3 =	simm.s32 @!p0 $0x1082;
	s9 =	sld [smem:$0x3FB7]  }
0x2f: {  	lr =	sadd.s32 s0, s3;
	s0 =	sld [smem:$0x3FAE]  }
0x30: {  	s3 =	sld [smem:$0x3FB1]  }
0x31: {  	[smem:$0x3FBA] =	sst s10  }
0x32: {  	s10 =	sld [smem:$0x3FB8];
	_ =	sdelay $0x3  }
0x33: {  	p0 =	seq.s32 s10, $0x1;
	s10 =	sld [smem:$0x3FBA];
	_ =	sdelay $0x3  }
0x34: {  	[smem:$0x3FBA] =	sst s10  }
0x35: {  	s10 =	sld [smem:$0x3FB9];
	_ =	sdelay $0x3  }
0x36: {  	p1 =	seq.s32 s10, $0x1;
	s10 =	sld [smem:$0x3FBA];
	_ =	sdelay $0x3  }
0x37: {  	[smem:$0x3FBA] =	sst s10  }
0x38: {  	s10 =	sld [smem:$0x3FBB]  }
0x39: {  	_ = 	snop;
	(pc) =	sbr.ind lr, $3  }
0x3a: {  	_ = 	snop  }
0x3b: {  	_ = 	snop  }
0x3c: {  	p2 =	seq.s32 s10, $0x1;
	s10 =	sld [smem:$0x3FBA]  }
0x3d: {  	_ =	shalt  }
0x3e: {  	_ =	shalt  }
0x3f: {  	_ =	shalt  }
0x40: {  	_ =	shalt  }
0x41: {  	_ =	shalt  }
0x42: {  	_ =	shalt  }
0x43: {  	_ =	shalt  }
0x44: {  	_ =	shalt  }
0x45: {  	_ =	shalt  }
0x46: {  	_ =	shalt  }
0x47: {  	_ =	shalt  }
0x48: {  	_ =	shalt  }
0x49: {  	_ =	shalt  }
0x4a: {  	_ =	shalt  }
0x4b: {  	_ =	shalt  }
0x4c: {  	_ =	shalt  }
0x4d: {  	_ =	shalt  }
0x4e: {  	_ =	shalt  }
0x4f: {  	_ =	shalt  }
0x50: {  	_ =	shalt  }
0x51: {  	_ =	shalt  }
0x52: {  	_ =	shalt  }
0x53: {  	_ =	shalt  }
0x54: {  	_ =	shalt  }
0x55: {  	_ =	shalt  }
0x56: {  	_ =	shalt  }
0x57: {  	_ =	shalt  }
0x58: {  	_ =	shalt  }
0x59: {  	_ =	shalt  }
0x5a: {  	_ =	shalt  }
0x5b: {  	_ =	shalt  }
0x5c: {  	_ =	shalt  }
0x5d: {  	_ =	shalt  }
0x5e: {  	_ =	shalt  }
0x5f: {  	_ =	shalt  }
0x60: {  	_ =	shalt  }
0x61: {  	_ =	shalt  }
0x62: {  	_ =	shalt  }
0x63: {  	_ =	shalt  }
0x64: {  	_ =	shalt  }
0x65: {  	_ =	shalt  }
0x66: {  	_ =	shalt  }
0x67: {  	_ =	shalt  }
0x68: {  	_ =	shalt  }
0x69: {  	_ =	shalt  }
0x6a: {  	_ =	shalt  }
0x6b: {  	_ =	shalt  }
0x6c: {  	_ =	shalt  }
0x6d: {  	_ =	shalt  }
0x6e: {  	_ =	shalt  }
0x6f: {  	_ =	shalt  }
0x70: {  	_ =	shalt  }
0x71: {  	_ =	shalt  }
0x72: {  	_ =	shalt  }
0x73: {  	_ =	shalt  }
0x74: {  	_ =	shalt  }
0x75: {  	_ =	shalt  }
0x76: {  	_ =	shalt  }
0x77: {  	_ =	shalt  }
0x78: {  	_ =	shalt  }
0x79: {  	_ =	shalt  }
0x7a: {  	_ =	shalt  }
0x7b: {  	_ =	shalt  }
0x7c: {  	_ =	shalt  }
0x7d: {  	_ =	shalt  }
0x7e: {  	_ =	shalt  }
0x7f: {  	_ =	shalt  }
0x80: {  	_ =	shalt  }
0x81: {  	_ =	shalt  }
0x82: {  	_ =	shalt  }
0x83: {  	_ =	shalt  }
0x84: {  	_ =	shalt  }
0x85: {  	_ =	shalt  }
0x86: {  	_ =	shalt  }
0x87: {  	_ =	shalt  }
.Lfunc_end0:
.L_simem_size_0:
called_computation_lowered:
.L_overlay_start_0:
0x88: {  	s2 =	sld [smem:$0x3FD9]  }
0x89: {  	s3 =	sld [smem:$0x3FFE];
	_ =	sdelay $0x1  }
0x8a: {  	s1 =	srdreg.scid  }
0x8b: {  	s0 =	sand.u32 $0x1, s1  }
0x8c: {  	s17 =	sshll.u32 s0, $0xA;
	s2 =	sadd.s32 s3, s2  }
0x8d: {  	s2 =	sadd.s32 s2, s17  }
0x8e: {  	[smem:$0x3FC6] =	sst s2  }
0x8f: {  	_ = 	snop  }
0x90: {  	s2 =	sld [smem:$0x3FD0];
	(tm) =	ssettm $0x1  }
0x91: {  	s18 =	sld [smem:$0x3FFB];
	_ =	sdelay $0x3  }
0x92: {  	_ =	strace s18  }
0x93: {  	s3 =	sld [smem:$0x3FFC];
	_ =	sdelay $0x3  }
0x94: {  	_ =	strace s3  }
0x95: {  	s3 =	sld [smem:$0x3FFD];
	_ =	sdelay $0x3  }
0x96: {  	_ =	strace s3  }
0x97: {  	_ =	strace $0x8FFFFFFF  }
0x98: {  	s19 =	sld [smem:$0x3FDB];
	_ =	sdelay $0x1  }
0x99: {  	s4 =	simm.s32 $_scs_section_size  }
0x9a: {  	s5 =	simm.s32 $_size__tile_overlayer_lowered;
	s6 =	simm.s32 $_tile_overlayer_lowered  }
0x9b: {  	s22 =	simm.s32 $0x1BFF;
	s21 =	sshll.u32 s6, $0x1;
	s3 =	sadd.s32 s4, s19  }
0x9c: {  	s7 =	simm.s32 $0x0;
	s20 =	sshll.u32 s5, $0x1;
	s5 =	sadd.s32 s21, s3  }
0x9d: {  	[timem:s7], [sflag:s22] =	dma.local [hbm:s5], s20  }
0x9e: {  	_ =	swait.ge [sflag:s22], s20  }
0x9f: {  	s4 =	ssub.s32 $0x0, s20;
	[sflag:s22] =	ssyncset.done $0x0  }
0xa0: {  	[sflag:s22] =	ssyncadd.s32 s4;
	_ =	sdelay $0x1  }
0xa1: {  	s23 =	simm.s32 $0x1B8B  }
0xa2: {  	_ =	swait.ge [sflag:s23], $0x1  }
0xa3: {  	[sflag:s23] =	ssyncset.done $0x0  }
0xa4: {  	s25 =	simm.s32 $0x1B8E;
	s24 =	sld [smem:$0x3FFE];
	[sflag:s23] =	ssyncadd.s32 $0xFFFFFFFF  }
0xa5: {  	s26 =	simm.s32 $execute0_lowered;
	[smem:$0x3FD2] =	sst s25  }
0xa6: {  	s5 =	sshll.u32 s26, $0x1;
	_ =	strace $0x80000046;
	[dreg:$0x1] =	wrdreg $0xFFFFFFFF  }
0xa7: {  	s28 =	simm.s32 $_size_execute0_lowered;
	s3 =	sadd.s32 s3, s5;
	[dreg:$0x0] =	wrdreg $0x0  }
0xa8: {  	s5 =	sshll.u32 s28, $0x1;
	[dreg:$0x2] =	wrdreg s3  }
0xa9: {  	[dreg:$0x3] =	wrdreg s5  }
0xaa: {  	[dreg:$0x4] =	wrdreg $0xC0  }
0xab: {  	_ =	task [dreg:s7], $0x5FFFF  }
0xac: {  	[dreg:$0x1] =	wrdreg $0xFFFFFFFF  }
0xad: {  	[dreg:$0x0] =	wrdreg $0x60  }
0xae: {  	[dreg:$0x2] =	wrdreg s24  }
0xaf: {  	[dreg:$0x3] =	wrdreg s2  }
0xb0: {  	[dreg:$0x4] =	wrdreg $0x9  }
0xb1: {  	_ =	task.clear_ibuf [dreg:s7], $0x5FFFF;
	_ =	strace $0x90000046  }
0xb2: {  	s29 =	simm.s32 $0x9;
	_ =	strace $0x80000048  }
0xb3: {  	_ =	swait.ge [sflag:s29], $0x1  }
0xb4: {  	[sflag:s29] =	ssyncadd.s32 $0xFFFFFFFF  }
0xb5: {  	_ =	strace $0x90000048  }
0xb6: {  	_ =	sfence  }
0xb7: {  	s30 =	sld [smem:$0x0];
	_ =	sdelay $0x2  }
0xb8: {  	s31 =	sshll.u32 s1, $0xD;
	s1 =	sshrl.u32 s1, $0x2  }
0xb9: {  	s3 =	sand.u32 $0x4000, s31;
	s1 =	sadd.s32 s1, s30  }
0xba: {  	s0 =	sor.u32 s3, s0;
	s1 =	sshll.u32 s1, $0x11  }
0xbb: {  	s0 =	sor.u32 s1, s0  }
0xbc: {  	s0 =	sadd.s32 $0x8F2B, s0  }
0xbd: {  	[sflag:s0] =	ssyncadd.remote.s32 $0x1  }
0xbe: {  	_ =	sfence.sel $0xFFFF  }
0xbf: {  	[dreg:$0x0] =	wrdreg $0xFFFFFFFF;
	(pc) =	sbr.abs _section_cstart, $3  }
0xc0: {  	[dreg:$0x1] =	wrdreg $0xFFFFFFFF  }
0xc1: {  	_ =	task.clear_ibuf [dreg:s7], $0x2FFFF;
	_ =	strace $0x9FFFFFFF  }
0xc2: {  	(tm) =	ssettm $0x7FFFFFFF  }
0xc3: {  	_ =	shalt  }
tec
execute0_lowered:
.L_overlay_start_1:
0x0: {  	(tag) =	ssettag $0x1  }
0x1: {  	s0 =	rddreg [dreg:$0x0]  }
0x2: {  	s3 =	rddreg [dreg:$0x1];
	s2 =	simm.s32 $0x0  }
0x3: {  	s26 =	simm.s32 $0x1200;
	[smem:$0x7FF] =	sst s2  }
0x4: {  	s30 =	simm.s32 $0x1A00;
	_ =	strace $0x80000047;
	[dreg:$0x4] =	wrdreg s26  }
0x5: {  	s7 =	simm.s32 $0x3200;
	[dreg:$0x5] =	wrdreg s30  }
0x6: {  	s9 =	simm.s32 $0x3A00;
	[dreg:$0x8] =	wrdreg s7  }
0x7: {  	s10 =	simm.s32 $0x4200;
	[dreg:$0x9] =	wrdreg s9  }
0x8: {  	s11 =	simm.s32 $0x4A00;
	[dreg:$0xa] =	wrdreg s10  }
0x9: {  	s12 =	simm.s32 $0x5200;
	[dreg:$0xb] =	wrdreg s11  }
0xa: {  	s1 =	srdreg.scid;
	s13 =	simm.s32 $0x5A00;
	[dreg:$0xc] =	wrdreg s12  }
0xb: {  	s6 =	stileid.u32;
	s14 =	simm.s32 $0x6200;
	[dreg:$0xd] =	wrdreg s13  }
0xc: {  	s15 =	simm.s32 $0x6A00;
	s16 =	simm.s32 $0x7200;
	[dreg:$0xe] =	wrdreg s14  }
0xd: {  	s18 =	simm.s32 $0x7A00;
	s19 =	simm.s32 $0x8200;
	[dreg:$0xf] =	wrdreg s15  }
0xe: {  	s20 =	simm.s32 $0x8A00;
	s21 =	simm.s32 $0x9200;
	[dreg:$0x10] =	wrdreg s16  }
0xf: {  	s22 =	simm.s32 $0x9A00;
	s23 =	simm.s32 $0xA200;
	[dreg:$0x11] =	wrdreg s18  }
0x10: {  	s24 =	simm.s32 $0xB200;
	s25 =	simm.s32 $0xBA00;
	[dreg:$0x12] =	wrdreg s19  }
0x11: {  	s28 =	simm.s32 $0x14200;
	s29 =	simm.s32 $0x2;
	[dreg:$0x13] =	wrdreg s20  }
0x12: {  	s31 =	simm.s32 $0x4;
	s1 =	sand.u32 $0x1, s1;
	[dreg:$0x14] =	wrdreg s21  }
0x13: {  	s4 =	smul.u32 $0xA0000, s6;
	s8 =	sshll.u32 s6, $0x1;
	[dreg:$0x15] =	wrdreg s22  }
0x14: {  	s6 =	sadd.s32 $0x2E00, s0;
	s5 =	smul.u32 $0x50000, s1;
	[dreg:$0x16] =	wrdreg s23  }
0x15: {  	s7 =	sadd.s32 $0x2F00, s0;
	[dreg:$0x17] =	wrdreg s24;
	s10 =	simm.s32 $0xA00  }
0x16: {  	[dreg:$0x18] =	wrdreg s25;
	s26 =	simm.s32 $0xC200;
	s11 =	simm.s32 $0x1  }
0x17: {  	s30 =	simm.s32 $0xCA00;
	s12 =	simm.s32 $0xAA00;
	s13 =	simm.s32 $0xD200  }
0x18: {  	s14 =	simm.s32 $0xDA00;
	s15 =	simm.s32 $0xE200;
	s16 =	simm.s32 $0xEA00  }
0x19: {  	s18 =	simm.s32 $0xFA00;
	s19 =	simm.s32 $0x10200;
	s20 =	simm.s32 $0x10A00  }
0x1a: {  	s21 =	simm.s32 $0x11200;
	s22 =	simm.s32 $0x11A00;
	s23 =	simm.s32 $0x12200  }
0x1b: {  	s24 =	simm.s32 $0x12A00;
	s25 =	simm.s32 $0x13200;
	[dreg:$0x19] =	wrdreg s26  }
0x1c: {  	s3 =	sadd.s32 s4, s3;
	s4 =	simm.s32 $0x2200;
	[dreg:$0x1a] =	wrdreg s30  }
0x1d: {  	s26 =	simm.s32 $0x13A00;
	[dreg:$0x6] =	wrdreg s4;
	s4 =	sor.u32 s1, s8  }
0x1e: {  	s3 =	sadd.s32 s5, s3;
	s1 =	ssub.s32 $0x2, s1;
	s4 =	smul.u32 $0xA00, s4  }
0x1f: {  	s5 =	simm.s32 $0x2A00;
	[dreg:$0x3] =	wrdreg s3;
	s17 =	sshrl.u32 s1, $0x1  }
0x20: {  	[dreg:$0x7] =	wrdreg s5;
	s1 =	ssub.s32 s1, s17;
	s4 =	sshrl.u32 s4, $0x3  }
0x21: {  	v2 =	vlaneseq.u32;
	s3 =	sadd.s32 $0x2C00, s0;
	s1 =	smax.u32 s1, $0x1;
	s4 =	sadd.s32 s4, s0  }
0x22: {  	vm0 =	vmmov $0xffff;
	v1 =	vshrl.u32 v2, $0x3;
	s5 =	sadd.s32 $0x2D00, s0;
	[dreg:$0x1c] =	wrdreg s1;
	s4 =	sadd.s32 $0x400, s4  }
0x23: {  	v0 =	vand.u32 $0x7, v2;
	v2 =	vor.u32 $0x8, v2;
	v1 =	vmul.u32 $0x8, v1;
	s17 =	simm.s32 $0xF200;
	s1 =	simm.s32 $0x0;
	[dreg:$0x1b] =	wrdreg s4  }
.LBB2_1:
0x24: {  	s0 =	rddreg [dreg:$0x1b];
	s30 =	simm.s32 $0x5  }
0x25: {  	[tilespmem:s2], [sflag:$0x5] =	stream.linear.gather [hbm4b:s0+s2], $0xA00, $0x38;
	[tilespmem:$0x14A00] =	vst v63  }
0x26: {  	_ =	swait.ge [sflag:s30], $0xA00  }
0x27: {  	[sflag:s30] =	ssyncset.done $0x0  }
0x28: {  	s4 =	simm.s32 $0x0;
	s0 =	simm.s32 $0x28;
	[sflag:s30] =	ssyncadd.s32 $0xFFFFF600  }
.LBB2_2:
0x29: {  	p0 =	seq.s32 s4, $0x0  }
0x2a: {  	s8 =	simm.s32 @!p0 $0x3  }
0x2b: {  	_ =	swait.ge @!p0 [sflag:s8], $0xA000  }
0x2c: {  	[sflag:s8] =	ssyncset.done @!p0 $0x0  }
0x2d: {  	[sflag:s8] =	ssyncadd.s32 @!p0 $0xFFFF6000  }
0x2e: {  	v3 =	vld [tilespmem:s0+$0xFFFFFFD8];
	_ =	sdelay $0x4  }
0x2f: {  	v4 =	vshll.u32 v3, $0x3  }
0x30: {  	v3 =	vand.u32 $0x7, v3;
	v4 =	vand.u32 $0xFFFFFFC0, v4  }
0x31: {  	v3 =	vor.u32 v3, v4  }
0x32: {  	v4 =	vperm.xlane v3, v0;
	_ =	sdelay $0x1  }
0x33: {  	v4 =	vadd.s32 v1, v4;
	_ =	sdelay $0x4  }
0x34: {  	[tilespmem:s10], [sflag:$0x1] =	stream.indirect_vreg.gather [hbm4b:s3+s2], $0x80, v4, vm0, $0xb8;
	[tilespmem:$0x14A00] =	vst v63  }
0x35: {  	s30 =	rddreg [dreg:$0x4];
	v3 =	vperm.xlane v3, v2  }
0x36: {  	[tilespmem:s30], [sflag:$0x1] =	stream.indirect_vreg.gather [hbm4b:s5+s2], $0x80, v4, vm0, $0xb8;
	[tilespmem:$0x14A00] =	vst v63  }
0x37: {  	s9 =	rddreg [dreg:$0x5];
	v3 =	vadd.s32 v1, v3  }
0x38: {  	[tilespmem:s9], [sflag:$0x1] =	stream.indirect_vreg.gather [hbm4b:s6+s2], $0x80, v4, vm0, $0xb8;
	[tilespmem:$0x14A00] =	vst v63  }
0x39: {  	s30 =	rddreg [dreg:$0x6]  }
0x3a: {  	[tilespmem:s30], [sflag:$0x1] =	stream.indirect_vreg.gather [hbm4b:s7+s2], $0x80, v4, vm0, $0xb8;
	[tilespmem:$0x14A00] =	vst v63  }
0x3b: {  	s9 =	rddreg [dreg:$0x7]  }
0x3c: {  	[tilespmem:s9], [sflag:$0x1] =	stream.indirect_vreg.gather [hbm4b:s3+s2], $0x80, v3, vm0, $0xb8;
	[tilespmem:$0x14A00] =	vst v63  }
0x3d: {  	s30 =	rddreg [dreg:$0x8]  }
0x3e: {  	[tilespmem:s30], [sflag:$0x1] =	stream.indirect_vreg.gather [hbm4b:s5+s2], $0x80, v3, vm0, $0xb8;
	[tilespmem:$0x14A00] =	vst v63  }
0x3f: {  	s9 =	rddreg [dreg:$0x9]  }
0x40: {  	[tilespmem:s9], [sflag:$0x1] =	stream.indirect_vreg.gather [hbm4b:s6+s2], $0x80, v3, vm0, $0xb8;
	[tilespmem:$0x14A00] =	vst v63  }
0x41: {  	s30 =	rddreg [dreg:$0xa]  }
0x42: {  	[tilespmem:s30], [sflag:$0x1] =	stream.indirect_vreg.gather [hbm4b:s7+s2], $0x80, v3, vm0, $0xb8;
	[tilespmem:$0x14A00] =	vst v63  }
0x43: {  	v3 =	vld [tilespmem:s0+$0xFFFFFFE8];
	_ =	sdelay $0x4  }
0x44: {  	v59 =	vshll.u32 v3, $0x3  }
0x45: {  	v3 =	vand.u32 $0x7, v3;
	v4 =	vand.u32 $0xFFFFFFC0, v59  }
0x46: {  	v3 =	vor.u32 v3, v4  }
0x47: {  	v4 =	vperm.xlane v3, v0;
	_ =	sdelay $0x1  }
0x48: {  	v4 =	vadd.s32 v1, v4;
	_ =	sdelay $0x3  }
0x49: {  	s9 =	rddreg [dreg:$0xb]  }
0x4a: {  	[tilespmem:s9], [sflag:$0x1] =	stream.indirect_vreg.gather [hbm4b:s3+s2], $0x80, v4, vm0, $0xb8;
	[tilespmem:$0x14A00] =	vst v63  }
0x4b: {  	s30 =	rddreg [dreg:$0xc];
	v3 =	vperm.xlane v3, v2  }
0x4c: {  	[tilespmem:s30], [sflag:$0x1] =	stream.indirect_vreg.gather [hbm4b:s5+s2], $0x80, v4, vm0, $0xb8;
	[tilespmem:$0x14A00] =	vst v63  }
0x4d: {  	s8 =	rddreg [dreg:$0xd];
	v3 =	vadd.s32 v1, v3  }
0x4e: {  	[tilespmem:s8], [sflag:$0x1] =	stream.indirect_vreg.gather [hbm4b:s6+s2], $0x80, v4, vm0, $0xb8;
	[tilespmem:$0x14A00] =	vst v63  }
0x4f: {  	s30 =	rddreg [dreg:$0xe]  }
0x50: {  	[tilespmem:s30], [sflag:$0x1] =	stream.indirect_vreg.gather [hbm4b:s7+s2], $0x80, v4, vm0, $0xb8;
	[tilespmem:$0x14A00] =	vst v63  }
0x51: {  	s8 =	rddreg [dreg:$0xf]  }
0x52: {  	[tilespmem:s8], [sflag:$0x1] =	stream.indirect_vreg.gather [hbm4b:s3+s2], $0x80, v3, vm0, $0xb8;
	[tilespmem:$0x14A00] =	vst v63  }
0x53: {  	s30 =	rddreg [dreg:$0x10]  }
0x54: {  	[tilespmem:s30], [sflag:$0x1] =	stream.indirect_vreg.gather [hbm4b:s5+s2], $0x80, v3, vm0, $0xb8;
	[tilespmem:$0x14A00] =	vst v63  }
0x55: {  	s8 =	rddreg [dreg:$0x11]  }
0x56: {  	[tilespmem:s8], [sflag:$0x1] =	stream.indirect_vreg.gather [hbm4b:s6+s2], $0x80, v3, vm0, $0xb8;
	[tilespmem:$0x14A00] =	vst v63  }
0x57: {  	s30 =	rddreg [dreg:$0x12]  }
0x58: {  	[tilespmem:s30], [sflag:$0x1] =	stream.indirect_vreg.gather [hbm4b:s7+s2], $0x80, v3, vm0, $0xb8;
	[tilespmem:$0x14A00] =	vst v63  }
0x59: {  	v3 =	vld.msk [tilespmem:s0+$0xFFFFFFF8], $0xff;
	_ =	sdelay $0x4  }
0x5a: {  	v60 =	vshll.u32 v3, $0x3  }
0x5b: {  	v3 =	vand.u32 $0x7, v3;
	v4 =	vand.u32 $0xFFFFFFC0, v60  }
0x5c: {  	v3 =	vor.u32 v3, v4  }
0x5d: {  	v3 =	vperm.xlane v3, v0;
	_ =	sdelay $0x1  }
0x5e: {  	v3 =	vadd.s32 v1, v3;
	_ =	sdelay $0x3  }
0x5f: {  	s9 =	rddreg [dreg:$0x13]  }
0x60: {  	[tilespmem:s9], [sflag:$0x1] =	stream.indirect_vreg.gather [hbm4b:s3+s2], $0x80, v3, vm0, $0xb8;
	[tilespmem:$0x14A00] =	vst v63  }
0x61: {  	s30 =	rddreg [dreg:$0x14]  }
0x62: {  	[tilespmem:s30], [sflag:$0x1] =	stream.indirect_vreg.gather [hbm4b:s5+s2], $0x80, v3, vm0, $0xb8;
	[tilespmem:$0x14A00] =	vst v63  }
0x63: {  	s8 =	rddreg [dreg:$0x15]  }
0x64: {  	[tilespmem:s8], [sflag:$0x1] =	stream.indirect_vreg.gather [hbm4b:s6+s2], $0x80, v3, vm0, $0xb8;
	[tilespmem:$0x14A00] =	vst v63  }
0x65: {  	s30 =	rddreg [dreg:$0x16]  }
0x66: {  	[tilespmem:s30], [sflag:$0x1] =	stream.indirect_vreg.gather [hbm4b:s7+s2], $0x80, v3, vm0, $0xb8;
	[tilespmem:$0x14A00] =	vst v63  }
0x67: {  	_ =	swait.ge [sflag:s11], $0xA000  }
0x68: {  	s30 =	rddreg [dreg:$0x3];
	[sflag:s11] =	ssyncset.done $0x0  }
0x69: {  	s9 =	simm.s32 @!p0 $0x4;
	[sflag:s11] =	ssyncadd.s32 $0xFFFF6000;
	s8 =	sadd.s32 s4, s30  }
0x6a: {  	[hbm4b:s8+s2] =	stream.linear.scatter [tilespmem:s10], [sflag:$0x3], $0xA000, $0x38;
	[tilespmem:$0x14A00] =	vst v63  }
0x6b: {  	_ =	swait.ge @!p0 [sflag:s9], $0xA000  }
0x6c: {  	[sflag:s9] =	ssyncset.done @!p0 $0x0  }
0x6d: {  	[sflag:s9] =	ssyncadd.s32 @!p0 $0xFFFF6000  }
0x6e: {  	v3 =	vld [tilespmem:s0+$0x0];
	_ =	sdelay $0x4  }
0x6f: {  	v61 =	vshll.u32 v3, $0x3  }
0x70: {  	v3 =	vand.u32 $0x7, v3;
	v4 =	vand.u32 $0xFFFFFFC0, v61  }
0x71: {  	v3 =	vor.u32 v3, v4  }
0x72: {  	v4 =	vperm.xlane v3, v0;
	_ =	sdelay $0x1  }
0x73: {  	v4 =	vadd.s32 v1, v4;
	_ =	sdelay $0x4  }
0x74: {  	[tilespmem:s12], [sflag:$0x2] =	stream.indirect_vreg.gather [hbm4b:s3+s2], $0x80, v4, vm0, $0xb8;
	[tilespmem:$0x14A00] =	vst v63  }
0x75: {  	s9 =	rddreg [dreg:$0x17];
	v3 =	vperm.xlane v3, v2  }
0x76: {  	[tilespmem:s9], [sflag:$0x2] =	stream.indirect_vreg.gather [hbm4b:s5+s2], $0x80, v4, vm0, $0xb8;
	[tilespmem:$0x14A00] =	vst v63  }
0x77: {  	s30 =	rddreg [dreg:$0x18];
	v3 =	vadd.s32 v1, v3  }
0x78: {  	[tilespmem:s30], [sflag:$0x2] =	stream.indirect_vreg.gather [hbm4b:s6+s2], $0x80, v4, vm0, $0xb8;
	[tilespmem:$0x14A00] =	vst v63  }
0x79: {  	s9 =	rddreg [dreg:$0x19]  }
0x7a: {  	[tilespmem:s9], [sflag:$0x2] =	stream.indirect_vreg.gather [hbm4b:s7+s2], $0x80, v4, vm0, $0xb8;
	[tilespmem:$0x14A00] =	vst v63  }
0x7b: {  	s30 =	rddreg [dreg:$0x1a]  }
0x7c: {  	[tilespmem:s30], [sflag:$0x2] =	stream.indirect_vreg.gather [hbm4b:s3+s2], $0x80, v3, vm0, $0xb8;
	[tilespmem:$0x14A00] =	vst v63  }
0x7d: {  	_ = 	snop  }
0x7e: {  	[tilespmem:s13], [sflag:$0x2] =	stream.indirect_vreg.gather [hbm4b:s5+s2], $0x80, v3, vm0, $0xb8;
	[tilespmem:$0x14A00] =	vst v63  }
0x7f: {  	_ = 	snop  }
0x80: {  	[tilespmem:s14], [sflag:$0x2] =	stream.indirect_vreg.gather [hbm4b:s6+s2], $0x80, v3, vm0, $0xb8;
	[tilespmem:$0x14A00] =	vst v63  }
0x81: {  	_ = 	snop  }
0x82: {  	[tilespmem:s15], [sflag:$0x2] =	stream.indirect_vreg.gather [hbm4b:s7+s2], $0x80, v3, vm0, $0xb8;
	[tilespmem:$0x14A00] =	vst v63  }
0x83: {  	v3 =	vld [tilespmem:s0+$0x10];
	_ =	sdelay $0x4  }
0x84: {  	v62 =	vshll.u32 v3, $0x3  }
0x85: {  	v3 =	vand.u32 $0x7, v3;
	v4 =	vand.u32 $0xFFFFFFC0, v62  }
0x86: {  	v3 =	vor.u32 v3, v4  }
0x87: {  	v4 =	vperm.xlane v3, v0;
	_ =	sdelay $0x1  }
0x88: {  	v4 =	vadd.s32 v1, v4;
	_ =	sdelay $0x4  }
0x89: {  	[tilespmem:s16], [sflag:$0x2] =	stream.indirect_vreg.gather [hbm4b:s3+s2], $0x80, v4, vm0, $0xb8;
	[tilespmem:$0x14A00] =	vst v63  }
0x8a: {  	v3 =	vperm.xlane v3, v2  }
0x8b: {  	[tilespmem:s17], [sflag:$0x2] =	stream.indirect_vreg.gather [hbm4b:s5+s2], $0x80, v4, vm0, $0xb8;
	[tilespmem:$0x14A00] =	vst v63  }
0x8c: {  	v3 =	vadd.s32 v1, v3  }
0x8d: {  	[tilespmem:s18], [sflag:$0x2] =	stream.indirect_vreg.gather [hbm4b:s6+s2], $0x80, v4, vm0, $0xb8;
	[tilespmem:$0x14A00] =	vst v63  }
0x8e: {  	_ = 	snop  }
0x8f: {  	[tilespmem:s19], [sflag:$0x2] =	stream.indirect_vreg.gather [hbm4b:s7+s2], $0x80, v4, vm0, $0xb8;
	[tilespmem:$0x14A00] =	vst v63  }
0x90: {  	_ = 	snop  }
0x91: {  	[tilespmem:s20], [sflag:$0x2] =	stream.indirect_vreg.gather [hbm4b:s3+s2], $0x80, v3, vm0, $0xb8;
	[tilespmem:$0x14A00] =	vst v63  }
0x92: {  	_ = 	snop  }
0x93: {  	[tilespmem:s21], [sflag:$0x2] =	stream.indirect_vreg.gather [hbm4b:s5+s2], $0x80, v3, vm0, $0xb8;
	[tilespmem:$0x14A00] =	vst v63  }
0x94: {  	_ = 	snop  }
0x95: {  	[tilespmem:s22], [sflag:$0x2] =	stream.indirect_vreg.gather [hbm4b:s6+s2], $0x80, v3, vm0, $0xb8;
	[tilespmem:$0x14A00] =	vst v63  }
0x96: {  	_ = 	snop  }
0x97: {  	[tilespmem:s23], [sflag:$0x2] =	stream.indirect_vreg.gather [hbm4b:s7+s2], $0x80, v3, vm0, $0xb8;
	[tilespmem:$0x14A00] =	vst v63  }
0x98: {  	v3 =	vld.msk [tilespmem:s0+$0x20], $0xff;
	_ =	sdelay $0x4  }
0x99: {  	v63 =	vshll.u32 v3, $0x3  }
0x9a: {  	v3 =	vand.u32 $0x7, v3;
	v4 =	vand.u32 $0xFFFFFFC0, v63  }
0x9b: {  	v3 =	vor.u32 v3, v4  }
0x9c: {  	v3 =	vperm.xlane v3, v0;
	_ =	sdelay $0x1  }
0x9d: {  	v3 =	vadd.s32 v1, v3;
	_ =	sdelay $0x4  }
0x9e: {  	[tilespmem:s24], [sflag:$0x2] =	stream.indirect_vreg.gather [hbm4b:s3+s2], $0x80, v3, vm0, $0xb8;
	[tilespmem:$0x14A00] =	vst v63  }
0x9f: {  	_ = 	snop  }
0xa0: {  	[tilespmem:s25], [sflag:$0x2] =	stream.indirect_vreg.gather [hbm4b:s5+s2], $0x80, v3, vm0, $0xb8;
	[tilespmem:$0x14A00] =	vst v63  }
0xa1: {  	s4 =	sadd.s32 $0x2800, s4  }
0xa2: {  	[tilespmem:s26], [sflag:$0x2] =	stream.indirect_vreg.gather [hbm4b:s6+s2], $0x80, v3, vm0, $0xb8;
	[tilespmem:$0x14A00] =	vst v63  }
0xa3: {  	p0 =	sne.s32 s4, $0x50000  }
0xa4: {  	[tilespmem:s28], [sflag:$0x2] =	stream.indirect_vreg.gather [hbm4b:s7+s2], $0x80, v3, vm0, $0xb8;
	[tilespmem:$0x14A00] =	vst v63  }
.Ltmp0:
0xa5: {  	_ = 	snop;
	(pc) =	sbr.rel @p0 .LBB2_2-.Ltmp0, $4  }
0xa6: {  	_ =	swait.ge [sflag:s29], $0xA000  }
0xa7: {  	[sflag:s29] =	ssyncset.done $0x0  }
0xa8: {  	s8 =	sadd.s32 $0x1400, s8;
	s0 =	sadd.s32 $0x50, s0;
	[sflag:s29] =	ssyncadd.s32 $0xFFFF6000  }
0xa9: {  	[hbm4b:s8+s2] =	stream.linear.scatter [tilespmem:s12], [sflag:$0x4], $0xA000, $0x38;
	[tilespmem:$0x14A00] =	vst v63  }
0xaa: {  	s0 =	simm.s32 $0x3  }
0xab: {  	_ =	swait.ge [sflag:s0], $0xA000  }
0xac: {  	[sflag:s0] =	ssyncset.done $0x0  }
0xad: {  	[sflag:s0] =	ssyncadd.s32 $0xFFFF6000  }
0xae: {  	_ =	swait.ge [sflag:s31], $0xA000  }
0xaf: {  	s1 =	sadd.s32 $0x1, s1;
	s30 =	rddreg [dreg:$0x1c]  }
0xb0: {  	p0 =	sne.s32 s1, s30  }
.Ltmp1:
0xb1: {  	_ = 	snop;
	(pc) =	sbr.rel @p0 .LBB2_1-.Ltmp1, $3  }
0xb2: {  	_ =	sdelay $0x1  }
0xb3: {  	[sflag:s31] =	ssyncset.done $0x0  }
0xb4: {  	[sflag:s31] =	ssyncadd.s32 $0xFFFF6000  }
0xb5: {  	_ =	sfence.sel $0x180000  }
0xb6: {  	[bflag:$0x0] =	sbarrier.arrive $0xFFFF  }
0xb7: {  	_ =	strace $0x90000047  }
0xb8: {  	s0 =	stileid.u32;
	[bflag:$0x2] =	sbarrier.arrive $0xFFFF  }
0xb9: {  	p0 =	sne.s32 s0, $0x0;
	s0 =	rddreg [dreg:$0x2]  }
0xba: {  	s0 =	sadd.s32 @!p0 $0x100000, s0  }
0xbb: {  	[sflag:s0] =	ssyncadd.tile.s32 @!p0 $0x1;
	_ =	shalt  }
.Lfunc_end2:
_tile_overlayer_lowered:
.L_overlay_start_2:
0xbc: {  	(tag) =	ssettag $0x2  }
0xbd: {  	s0 =	rddreg [dreg:$0x0];
	s2 =	stileid.u32  }
0xbe: {  	s1 =	rddreg [dreg:$0x1];
	p0 =	sne.s32 s2, $0x0  }
0xbf: {  	s3 =	rddreg [dreg:$0x2];
	[bflag:$0x3] =	sbarrier.arrive $0xFFFF;
	s2 =	simm.s32 @!p0 $0x1C05  }
0xc0: {  	[timem:s3], [sflag:s2] =	dma.local @!p0 [hbm:s0], s1  }
0xc1: {  	s0 =	simm.s32 @!p0 $0x5  }
0xc2: {  	_ =	swait.ge @!p0 [sflag:s0], s1  }
0xc3: {  	s1 =	ssub.s32 @!p0 $0x0, s1;
	[sflag:s0] =	ssyncset.done @!p0 $0x0  }
0xc4: {  	[sflag:s0] =	ssyncadd.s32 @!p0 s1  }
0xc5: {  	[bflag:$0x3] =	sbarrier.arrive $0xFFFF  }
0xc6: {  	_ =	shalt  }

</sc_bundles>
